<compile_context>
chip_gen: v7x
topology: tpu7x:2x2x1
jax: 0.10.2.dev20260603
libtpu: 0.0.44.dev20260713+nightly
codegen_flags: <defaults>
</compile_context>

<pallas_src>
import functools

import jax
import jax.numpy as jnp
from jax import lax
from jax.experimental import pallas as pl
from jax.experimental.pallas import tpu as pltpu
from jax.experimental.pallas import tpu_sc as plsc

_NUM_CODES = 8192
_CODE_DIM = 256
_BETA = 0.1
_BM = 256
_NBLK = 16384 // _BM


def _argmin_block(z_ref, e_ref, idx_ref):
    z = z_ref[...]
    emb = e_ref[...]
    z2 = jnp.sum(z * z, axis=1, keepdims=True)
    ones = jnp.ones((1, _CODE_DIM), jnp.float32)
    e2 = jax.lax.dot_general(
        ones, emb * emb, (((1,), (1,)), ((), ())))
    m = jax.lax.dot_general(
        z, emb, (((1,), (1,)), ((), ())))
    d = (z2 - 2.0 * m) + e2
    dmin = jnp.min(d, axis=1, keepdims=True)
    iota = jax.lax.broadcasted_iota(jnp.int32, d.shape, 1)
    idx = jnp.min(jnp.where(d == dmin, iota, _NUM_CODES), axis=1)
    idx_ref[...] = idx[None, None, :]


def _st_block(z_ref, zq_ref, out_ref, part_ref):
    z = z_ref[...]
    zq = zq_ref[...]
    out_ref[...] = z + (zq - z)
    part_ref[...] = jnp.sum((z - zq) ** 2)[None, None, None]


def _sc_gather(table_hbm, idx_hbm, out_hbm, idx_v, rows_v, sem):
    info = plsc.get_sparse_core_info()
    nc, ns = info.num_cores, info.num_subcores
    chunk = idx_v.shape[0]
    n_rows = out_hbm.shape[0]
    n_chunks = n_rows // (nc * ns * chunk)
    wid = lax.axis_index("s") * nc + lax.axis_index("c")
    base = wid * n_chunks * chunk
    for c in range(n_chunks):
        pltpu.sync_copy(idx_hbm.at[pl.ds(base + c * chunk, chunk)], idx_v)
        pltpu.async_copy(table_hbm.at[idx_v], rows_v, sem).wait()
        pltpu.sync_copy(rows_v, out_hbm.at[pl.ds(base + c * chunk, chunk)])


def kernel(z, embedding_weight):
    z_flat = z.reshape(-1, _CODE_DIM)

    idx_blocks = pl.pallas_call(
        _argmin_block,
        grid=(_NBLK,),
        in_specs=[
            pl.BlockSpec((_BM, _CODE_DIM), lambda i: (i, 0)),
            pl.BlockSpec((_NUM_CODES, _CODE_DIM), lambda i: (0, 0)),
        ],
        out_specs=pl.BlockSpec((1, 1, _BM), lambda i: (i, 0, 0)),
        out_shape=jax.ShapeDtypeStruct((_NBLK, 1, _BM), jnp.int32),
    )(z_flat, embedding_weight)
    idx = idx_blocks.reshape(-1)

    mesh = plsc.VectorSubcoreMesh(core_axis_name="c", subcore_axis_name="s")
    gather = functools.partial(
        pl.kernel,
        mesh=mesh,
        out_type=jax.ShapeDtypeStruct((16384, _CODE_DIM), jnp.float32),
        scratch_types=[
            pltpu.VMEM((256,), jnp.int32),
            pltpu.VMEM((256, _CODE_DIM), jnp.float32),
            pltpu.SemaphoreType.DMA,
        ],
    )(_sc_gather)
    zq = gather(embedding_weight, idx)

    zq_st, parts = pl.pallas_call(
        _st_block,
        grid=(_NBLK,),
        in_specs=[
            pl.BlockSpec((_BM, _CODE_DIM), lambda i: (i, 0)),
            pl.BlockSpec((_BM, _CODE_DIM), lambda i: (i, 0)),
        ],
        out_specs=[
            pl.BlockSpec((_BM, _CODE_DIM), lambda i: (i, 0)),
            pl.BlockSpec((1, 1, 1), lambda i: (i, 0, 0)),
        ],
        out_shape=[
            jax.ShapeDtypeStruct((16384, _CODE_DIM), jnp.float32),
            jax.ShapeDtypeStruct((_NBLK, 1, 1), jnp.float32),
        ],
    )(z_flat, zq)

    mean_sq = jnp.sum(parts) / (16384.0 * _CODE_DIM)
    vq_loss = _BETA * mean_sq + mean_sq
    return zq_st.reshape(z.shape), vq_loss

# --- scband reference (transcript-rebuilt; emitter-appended) ---
"""Pipeline reference for scband-vector-quantizer-18270790877666 (READ-ONLY COPY).

The authoritative reference and input builder live on the scoring server;
editing this copy changes nothing except your own understanding.
"""

import jax, jax.numpy as jnp
import numpy as np

NUM_CODES = 8192
CODE_DIM = 256
BETA = 0.1


def setup_inputs(seed: int = 0) -> dict:
    key = jax.random.key(seed)
    k1, k2 = jax.random.split(key)
    z = jax.random.normal(k1, (16, 1024, CODE_DIM), dtype=jnp.float32)
    embedding_weight = jax.random.uniform(
        k2, (NUM_CODES, CODE_DIM), dtype=jnp.float32,
        minval=-1.0 / NUM_CODES, maxval=1.0 / NUM_CODES)
    return {"z": z, "embedding_weight": embedding_weight}


def reference(z, embedding_weight):
    z_flat = z.reshape(-1, CODE_DIM)
    distances = (jnp.sum(z_flat ** 2, axis=1, keepdims=True)
                 - 2.0 * jnp.matmul(z_flat, embedding_weight.T)
                 + jnp.sum(embedding_weight ** 2, axis=1))
    encoding_indices = jnp.argmin(distances, axis=1)
    z_q = jnp.take(embedding_weight, encoding_indices, axis=0).reshape(z.shape)
    commitment_loss = jnp.mean((jax.lax.stop_gradient(z) - z_q) ** 2)
    codebook_loss = jnp.mean((z - jax.lax.stop_gradient(z_q)) ** 2)
    vq_loss = BETA * commitment_loss + codebook_loss
    z_q_st = z + jax.lax.stop_gradient(z_q - z)
    return (z_q_st, vq_loss)

if __name__ == "__main__":
    import jax
    _d = setup_inputs()
    print(jax.jit(kernel)(*tuple(_d.values())))

</pallas_src>

<mosaic_0001>
#map = affine_map<(d0, d1) -> (0, 0)>
#map1 = affine_map<(d0, d1) -> (0)>
module attributes {stable_mosaic.version = 14 : i64} {
  func.func @_sc_gather(%arg0: i32, %arg1: i32, %arg2: memref<8192x256xf32, #tpu.memory_space<hbm>>, %arg3: memref<16384xi32, #tpu.memory_space<hbm>>, %arg4: memref<16384x256xf32, #tpu.memory_space<hbm>>, %arg5: memref<256xi32, #tpu.memory_space<vmem>>, %arg6: memref<256x256xf32, #tpu.memory_space<vmem>>, %arg7: memref<!tpu.dma_semaphore, #tpu.memory_space<semaphore_mem>>) attributes {dimension_semantics = [#tpu.dimension_semantics<core_parallel>, #tpu.dimension_semantics<subcore_parallel>], iteration_bounds = array<i64: 2, 16>, scalar_prefetch = 0 : i64, scratch_operands = 3 : i64, tpu.core_type = #tpu.core_type<sc_vector_subcore>, window_params = [{transform_indices = #map}, {transform_indices = #map1}, {transform_indices = #map}]} {
    %mul3A = arith.constant 2 : i32
    %mul3A_0 = arith.muli %arg1, %mul3A : i32
    %add3A = arith.addi %mul3A_0, %arg0 : i32
    %mul3A_1 = arith.constant 2 : i32
    %mul3A_2 = arith.muli %add3A, %mul3A_1 : i32
    %mul3A_3 = arith.constant 256 : i32
    %mul3A_4 = arith.muli %mul3A_2, %mul3A_3 : i32
    %add3A_5 = arith.constant 0 : i32
    %add3A_6 = arith.addi %mul3A_4, %add3A_5 : i32
    "tpu.region"() ({
      %run_scoped3A = tpu.sem_alloc : memref<!tpu.dma_semaphore, #tpu.memory_space<semaphore_mem>>
      %dma_start3A_23 = tpu.memref_slice %arg3[%add3A_6] : memref<16384xi32, #tpu.memory_space<hbm>> -> memref<256xi32, #tpu.memory_space<hbm>>
      %dma_start3A_24 = tpu.memref_slice %arg3[%add3A_6] : memref<16384xi32, #tpu.memory_space<hbm>> -> memref<256xi32, #tpu.memory_space<hbm>>
      tpu.enqueue_dma source(%dma_start3A_24 : memref<256xi32, #tpu.memory_space<hbm>>) target(%arg5 : memref<256xi32, #tpu.memory_space<vmem>>) target_semaphore(%run_scoped3A : memref<!tpu.dma_semaphore, #tpu.memory_space<semaphore_mem>>)
      %dma_wait3A_25 = tpu.memref_slice %arg3[%add3A_6] : memref<16384xi32, #tpu.memory_space<hbm>> -> memref<256xi32, #tpu.memory_space<hbm>>
      %dma_wait3A_26 = tpu.memref_slice %arg3[%add3A_6] : memref<16384xi32, #tpu.memory_space<hbm>> -> memref<256xi32, #tpu.memory_space<hbm>>
      tpu.wait_dma2 semaphore(%run_scoped3A : memref<!tpu.dma_semaphore, #tpu.memory_space<semaphore_mem>>) src(%dma_wait3A_26 : memref<256xi32, #tpu.memory_space<hbm>>) dst(%arg5 : memref<256xi32, #tpu.memory_space<vmem>>)
      tpu.yield
    }) : () -> ()
    %dma_start3A = arith.constant 0 : i32
    %dma_start3A_7 = arith.constant 0 : i32
    %dma_start3A_8 = tpu.memref_slice %arg2[%dma_start3A, %dma_start3A_7] : memref<8192x256xf32, #tpu.memory_space<hbm>> -> memref<8192x256xf32, #tpu.memory_space<hbm>>
    tpu.enqueue_indirect_dma source(%dma_start3A_8 : memref<8192x256xf32, #tpu.memory_space<hbm>>) target(%arg6 : memref<256x256xf32, #tpu.memory_space<vmem>>) offsets(%arg5 : memref<256xi32, #tpu.memory_space<vmem>>) semaphore(%arg7 : memref<!tpu.dma_semaphore, #tpu.memory_space<semaphore_mem>>)
    %dma_wait3A = arith.constant 0 : i32
    %dma_wait3A_9 = arith.constant 0 : i32
    %dma_wait3A_10 = tpu.memref_slice %arg2[%dma_wait3A, %dma_wait3A_9] : memref<8192x256xf32, #tpu.memory_space<hbm>> -> memref<8192x256xf32, #tpu.memory_space<hbm>>
    tpu.wait_indirect_dma semaphore(%arg7 : memref<!tpu.dma_semaphore, #tpu.memory_space<semaphore_mem>>) src(%dma_wait3A_10 : memref<8192x256xf32, #tpu.memory_space<hbm>>) dst(%arg6 : memref<256x256xf32, #tpu.memory_space<vmem>>)
    %add3A_11 = arith.constant 0 : i32
    %add3A_12 = arith.addi %mul3A_4, %add3A_11 : i32
    "tpu.region"() ({
      %run_scoped3A = tpu.sem_alloc : memref<!tpu.dma_semaphore, #tpu.memory_space<semaphore_mem>>
      %dma_start3A_23 = arith.constant 0 : i32
      %dma_start3A_24 = tpu.memref_slice %arg4[%add3A_12, %dma_start3A_23] : memref<16384x256xf32, #tpu.memory_space<hbm>> -> memref<256x256xf32, #tpu.memory_space<hbm>>
      %dma_start3A_25 = arith.constant 0 : i32
      %dma_start3A_26 = tpu.memref_slice %arg4[%add3A_12, %dma_start3A_25] : memref<16384x256xf32, #tpu.memory_space<hbm>> -> memref<256x256xf32, #tpu.memory_space<hbm>>
      tpu.enqueue_dma source(%arg6 : memref<256x256xf32, #tpu.memory_space<vmem>>) target(%dma_start3A_26 : memref<256x256xf32, #tpu.memory_space<hbm>>) target_semaphore(%run_scoped3A : memref<!tpu.dma_semaphore, #tpu.memory_space<semaphore_mem>>)
      %dma_wait3A_27 = arith.constant 0 : i32
      %dma_wait3A_28 = tpu.memref_slice %arg4[%add3A_12, %dma_wait3A_27] : memref<16384x256xf32, #tpu.memory_space<hbm>> -> memref<256x256xf32, #tpu.memory_space<hbm>>
      %dma_wait3A_29 = arith.constant 0 : i32
      %dma_wait3A_30 = tpu.memref_slice %arg4[%add3A_12, %dma_wait3A_29] : memref<16384x256xf32, #tpu.memory_space<hbm>> -> memref<256x256xf32, #tpu.memory_space<hbm>>
      tpu.wait_dma2 semaphore(%run_scoped3A : memref<!tpu.dma_semaphore, #tpu.memory_space<semaphore_mem>>) src(%arg6 : memref<256x256xf32, #tpu.memory_space<vmem>>) dst(%dma_wait3A_30 : memref<256x256xf32, #tpu.memory_space<hbm>>)
      tpu.yield
    }) : () -> ()
    %add3A_13 = arith.constant 256 : i32
    %add3A_14 = arith.addi %mul3A_4, %add3A_13 : i32
    "tpu.region"() ({
      %run_scoped3A = tpu.sem_alloc : memref<!tpu.dma_semaphore, #tpu.memory_space<semaphore_mem>>
      %dma_start3A_23 = tpu.memref_slice %arg3[%add3A_14] : memref<16384xi32, #tpu.memory_space<hbm>> -> memref<256xi32, #tpu.memory_space<hbm>>
      %dma_start3A_24 = tpu.memref_slice %arg3[%add3A_14] : memref<16384xi32, #tpu.memory_space<hbm>> -> memref<256xi32, #tpu.memory_space<hbm>>
      tpu.enqueue_dma source(%dma_start3A_24 : memref<256xi32, #tpu.memory_space<hbm>>) target(%arg5 : memref<256xi32, #tpu.memory_space<vmem>>) target_semaphore(%run_scoped3A : memref<!tpu.dma_semaphore, #tpu.memory_space<semaphore_mem>>)
      %dma_wait3A_25 = tpu.memref_slice %arg3[%add3A_14] : memref<16384xi32, #tpu.memory_space<hbm>> -> memref<256xi32, #tpu.memory_space<hbm>>
      %dma_wait3A_26 = tpu.memref_slice %arg3[%add3A_14] : memref<16384xi32, #tpu.memory_space<hbm>> -> memref<256xi32, #tpu.memory_space<hbm>>
      tpu.wait_dma2 semaphore(%run_scoped3A : memref<!tpu.dma_semaphore, #tpu.memory_space<semaphore_mem>>) src(%dma_wait3A_26 : memref<256xi32, #tpu.memory_space<hbm>>) dst(%arg5 : memref<256xi32, #tpu.memory_space<vmem>>)
      tpu.yield
    }) : () -> ()
    %dma_start3A_15 = arith.constant 0 : i32
    %dma_start3A_16 = arith.constant 0 : i32
    %dma_start3A_17 = tpu.memref_slice %arg2[%dma_start3A_15, %dma_start3A_16] : memref<8192x256xf32, #tpu.memory_space<hbm>> -> memref<8192x256xf32, #tpu.memory_space<hbm>>
    tpu.enqueue_indirect_dma source(%dma_start3A_17 : memref<8192x256xf32, #tpu.memory_space<hbm>>) target(%arg6 : memref<256x256xf32, #tpu.memory_space<vmem>>) offsets(%arg5 : memref<256xi32, #tpu.memory_space<vmem>>) semaphore(%arg7 : memref<!tpu.dma_semaphore, #tpu.memory_space<semaphore_mem>>)
    %dma_wait3A_18 = arith.constant 0 : i32
    %dma_wait3A_19 = arith.constant 0 : i32
    %dma_wait3A_20 = tpu.memref_slice %arg2[%dma_wait3A_18, %dma_wait3A_19] : memref<8192x256xf32, #tpu.memory_space<hbm>> -> memref<8192x256xf32, #tpu.memory_space<hbm>>
    tpu.wait_indirect_dma semaphore(%arg7 : memref<!tpu.dma_semaphore, #tpu.memory_space<semaphore_mem>>) src(%dma_wait3A_20 : memref<8192x256xf32, #tpu.memory_space<hbm>>) dst(%arg6 : memref<256x256xf32, #tpu.memory_space<vmem>>)
    %add3A_21 = arith.constant 256 : i32
    %add3A_22 = arith.addi %mul3A_4, %add3A_21 : i32
    "tpu.region"() ({
      %run_scoped3A = tpu.sem_alloc : memref<!tpu.dma_semaphore, #tpu.memory_space<semaphore_mem>>
      %dma_start3A_23 = arith.constant 0 : i32
      %dma_start3A_24 = tpu.memref_slice %arg4[%add3A_22, %dma_start3A_23] : memref<16384x256xf32, #tpu.memory_space<hbm>> -> memref<256x256xf32, #tpu.memory_space<hbm>>
      %dma_start3A_25 = arith.constant 0 : i32
      %dma_start3A_26 = tpu.memref_slice %arg4[%add3A_22, %dma_start3A_25] : memref<16384x256xf32, #tpu.memory_space<hbm>> -> memref<256x256xf32, #tpu.memory_space<hbm>>
      tpu.enqueue_dma source(%arg6 : memref<256x256xf32, #tpu.memory_space<vmem>>) target(%dma_start3A_26 : memref<256x256xf32, #tpu.memory_space<hbm>>) target_semaphore(%run_scoped3A : memref<!tpu.dma_semaphore, #tpu.memory_space<semaphore_mem>>)
      %dma_wait3A_27 = arith.constant 0 : i32
      %dma_wait3A_28 = tpu.memref_slice %arg4[%add3A_22, %dma_wait3A_27] : memref<16384x256xf32, #tpu.memory_space<hbm>> -> memref<256x256xf32, #tpu.memory_space<hbm>>
      %dma_wait3A_29 = arith.constant 0 : i32
      %dma_wait3A_30 = tpu.memref_slice %arg4[%add3A_22, %dma_wait3A_29] : memref<16384x256xf32, #tpu.memory_space<hbm>> -> memref<256x256xf32, #tpu.memory_space<hbm>>
      tpu.wait_dma2 semaphore(%run_scoped3A : memref<!tpu.dma_semaphore, #tpu.memory_space<semaphore_mem>>) src(%arg6 : memref<256x256xf32, #tpu.memory_space<vmem>>) dst(%dma_wait3A_30 : memref<256x256xf32, #tpu.memory_space<hbm>>)
      tpu.yield
    }) : () -> ()
    return
  }
}

module attributes {stable_mosaic.version = 14 : i64} {
  func.func @_argmin_block(%arg0: i32, %arg1: memref<256x256xf32, #tpu.memory_space<vmem>>, %arg2: memref<8192x256xf32, #tpu.memory_space<vmem>>, %arg3: memref<1x1x256xi32, #tpu.memory_space<vmem>>) attributes {dimension_semantics = [#tpu.dimension_semantics<arbitrary>], iteration_bounds = array<i64: 64>, scalar_prefetch = 0 : i64, scratch_operands = 0 : i64, tpu.core_type = #tpu.core_type<tc>, window_params = [{transform_indices = @transform_0, window_bounds = array<i64: 256, 256>}, {pipeline_mode = #tpu.pipeline_mode<synchronous>, transform_indices = @transform_1, window_bounds = array<i64: 8192, 256>}, {transform_indices = @transform_2, window_bounds = array<i64: 1, 1, 256>}]} {
    %get3A = arith.constant 0 : index
    %get3A_0 = arith.constant 0 : index
    %get3A_1 = vector.load %arg1[%get3A, %get3A_0] : memref<256x256xf32, #tpu.memory_space<vmem>>, vector<256x256xf32>
    %get3A_2 = arith.constant 0 : index
    %get3A_3 = arith.constant 0 : index
    %get3A_4 = vector.load %arg2[%get3A_2, %get3A_3] : memref<8192x256xf32, #tpu.memory_space<vmem>>, vector<8192x256xf32>
    %mul3A = arith.mulf %get3A_1, %get3A_1 : vector<256x256xf32>
    %reduce_sum3A = arith.constant dense<0.000000e+00> : vector<256xf32>
    %reduce_sum3A_5 = vector.multi_reduction <add>, %mul3A, %reduce_sum3A [1] : vector<256x256xf32> to vector<256xf32>
    %broadcast_in_dim3A = vector.shape_cast %reduce_sum3A_5 : vector<256xf32> to vector<256x1xf32>
    %broadcast_in_dim3A_6 = arith.constant 1.000000e+00 : f32
    %broadcast_in_dim3A_7 = vector.broadcast %broadcast_in_dim3A_6 : f32 to vector<1x256xf32>
    %mul3A_8 = arith.mulf %get3A_4, %get3A_4 : vector<8192x256xf32>
    %dot_general3A = arith.constant dense<0.000000e+00> : vector<1x8192xf32>
    %dot_general3A_9 = tpu.matmul %broadcast_in_dim3A_7, %mul3A_8, %dot_general3A {dimension_numbers = #tpu.dot_dimension_numbers<[1], [1], [0], [0], [0, 0, 1, 0], [], []>, transpose_lhs_hint = false} : vector<1x256xf32>, vector<8192x256xf32>, vector<1x8192xf32> -> vector<1x8192xf32>
    %dot_general3A_10 = arith.constant dense<0.000000e+00> : vector<256x8192xf32>
    %dot_general3A_11 = tpu.matmul %get3A_1, %get3A_4, %dot_general3A_10 {dimension_numbers = #tpu.dot_dimension_numbers<[1], [1], [0], [0], [0, 0, 1, 0], [], []>, transpose_lhs_hint = false} : vector<256x256xf32>, vector<8192x256xf32>, vector<256x8192xf32> -> vector<256x8192xf32>
    %mul3A_12 = arith.constant 2.000000e+00 : f32
    %mul3A_13 = vector.broadcast %mul3A_12 : f32 to vector<256x8192xf32>
    %mul3A_14 = arith.mulf %mul3A_13, %dot_general3A_11 : vector<256x8192xf32>
    %sub3A = vector.broadcast %broadcast_in_dim3A : vector<256x1xf32> to vector<256x8192xf32>
    %sub3A_15 = arith.subf %sub3A, %mul3A_14 : vector<256x8192xf32>
    %add3A = vector.broadcast %dot_general3A_9 : vector<1x8192xf32> to vector<256x8192xf32>
    %add3A_16 = arith.addf %sub3A_15, %add3A : vector<256x8192xf32>
    %reduce_min3A = arith.constant dense<0x7F800000> : vector<256xf32>
    %reduce_min3A_17 = vector.multi_reduction <minimumf>, %add3A_16, %reduce_min3A [1] : vector<256x8192xf32> to vector<256xf32>
    %broadcast_in_dim3A_18 = vector.shape_cast %reduce_min3A_17 : vector<256xf32> to vector<256x1xf32>
    %iota3A = tpu.iota {dimensions = array<i32: 1>} : vector<256x8192xi32>
    %eq3A = vector.broadcast %broadcast_in_dim3A_18 : vector<256x1xf32> to vector<256x8192xf32>
    %eq3A_19 = arith.cmpf oeq, %add3A_16, %eq3A : vector<256x8192xf32>
    %jit3A = arith.constant 8192 : i32
    %broadcast_in_dim3A_20 = vector.broadcast %jit3A : i32 to vector<256x8192xi32>
    %select_n3A = arith.select %eq3A_19, %iota3A, %broadcast_in_dim3A_20 : vector<256x8192xi1>, vector<256x8192xi32>
    %reduce_min3A_21 = arith.constant dense<2147483647> : vector<256xi32>
    %reduce_min3A_22 = vector.multi_reduction <minsi>, %select_n3A, %reduce_min3A_21 [1] : vector<256x8192xi32> to vector<256xi32>
    %broadcast_in_dim3A_23 = vector.shape_cast %reduce_min3A_22 : vector<256xi32> to vector<1x1x256xi32>
    %swap3A = arith.constant 0 : index
    %swap3A_24 = arith.constant 0 : index
    %swap3A_25 = arith.constant 0 : index
    %swap3A_26 = vector.load %arg3[%swap3A, %swap3A_24, %swap3A_25] : memref<1x1x256xi32, #tpu.memory_space<vmem>>, vector<1x1x256xi32>
    tpu.vector_store %arg3[%swap3A, %swap3A_24, %swap3A_25], %broadcast_in_dim3A_23 {strides = array<i32>} : memref<1x1x256xi32, #tpu.memory_space<vmem>>, vector<1x1x256xi32>,
    return
  }
  func.func @transform_0(%arg0: i32) -> (i32, i32) {
    %c0_i32 = arith.constant 0 : i32
    %c0_i32_0 = arith.constant 0 : i32
    return %arg0, %c0_i32 : i32, i32
  }
  func.func @transform_1(%arg0: i32) -> (i32, i32) {
    %c0_i32 = arith.constant 0 : i32
    %c0_i32_0 = arith.constant 0 : i32
    %c0_i32_1 = arith.constant 0 : i32
    return %c0_i32, %c0_i32_0 : i32, i32
  }
  func.func @transform_2(%arg0: i32) -> (i32, i32, i32) {
    %c0_i32 = arith.constant 0 : i32
    %c0_i32_0 = arith.constant 0 : i32
    %c0_i32_1 = arith.constant 0 : i32
    return %arg0, %c0_i32, %c0_i32_0 : i32, i32, i32
  }
}

module attributes {stable_mosaic.version = 14 : i64} {
  func.func @_st_block(%arg0: i32, %arg1: memref<256x256xf32, #tpu.memory_space<vmem>>, %arg2: memref<256x256xf32, #tpu.memory_space<vmem>>, %arg3: memref<256x256xf32, #tpu.memory_space<vmem>>, %arg4: memref<1x1x1xf32, #tpu.memory_space<vmem>>) attributes {dimension_semantics = [#tpu.dimension_semantics<arbitrary>], iteration_bounds = array<i64: 64>, scalar_prefetch = 0 : i64, scratch_operands = 0 : i64, tpu.core_type = #tpu.core_type<tc>, window_params = [{transform_indices = @transform_0, window_bounds = array<i64: 256, 256>}, {transform_indices = @transform_1, window_bounds = array<i64: 256, 256>}, {transform_indices = @transform_2, window_bounds = array<i64: 256, 256>}, {transform_indices = @transform_3, window_bounds = array<i64: 1, 1, 1>}]} {
    %get3A = arith.constant 0 : index
    %get3A_0 = arith.constant 0 : index
    %get3A_1 = vector.load %arg1[%get3A, %get3A_0] : memref<256x256xf32, #tpu.memory_space<vmem>>, vector<256x256xf32>
    %get3A_2 = arith.constant 0 : index
    %get3A_3 = arith.constant 0 : index
    %get3A_4 = vector.load %arg2[%get3A_2, %get3A_3] : memref<256x256xf32, #tpu.memory_space<vmem>>, vector<256x256xf32>
    %sub3A = arith.subf %get3A_4, %get3A_1 : vector<256x256xf32>
    %add3A = arith.addf %get3A_1, %sub3A : vector<256x256xf32>
    %swap3A = arith.constant 0 : index
    %swap3A_5 = arith.constant 0 : index
    %swap3A_6 = vector.load %arg3[%swap3A, %swap3A_5] : memref<256x256xf32, #tpu.memory_space<vmem>>, vector<256x256xf32>
    tpu.vector_store %arg3[%swap3A, %swap3A_5], %add3A {strides = array<i32>} : memref<256x256xf32, #tpu.memory_space<vmem>>, vector<256x256xf32>,
    %sub3A_7 = arith.subf %get3A_1, %get3A_4 : vector<256x256xf32>
    %integer_pow3A = arith.mulf %sub3A_7, %sub3A_7 : vector<256x256xf32>
    %reduce_sum3A = vector.shape_cast %integer_pow3A : vector<256x256xf32> to vector<1x256x256xf32>
    %reduce_sum3A_8 = arith.constant dense<0.000000e+00> : vector<1xf32>
    %reduce_sum3A_9 = vector.multi_reduction <add>, %reduce_sum3A, %reduce_sum3A_8 [1, 2] : vector<1x256x256xf32> to vector<1xf32>
    %reduce_sum3A_10 = vector.shape_cast %reduce_sum3A_9 : vector<1xf32> to vector<1x1x1xf32>
    %reduce_sum3A_11 = vector.extract %reduce_sum3A_10[0, 0, 0] : f32 from vector<1x1x1xf32>
    %broadcast_in_dim3A = vector.broadcast %reduce_sum3A_11 : f32 to vector<1x1x1xf32>
    %swap3A_12 = arith.constant 0 : index
    %swap3A_13 = arith.constant 0 : index
    %swap3A_14 = arith.constant 0 : index
    %swap3A_15 = vector.load %arg4[%swap3A_12, %swap3A_13, %swap3A_14] : memref<1x1x1xf32, #tpu.memory_space<vmem>>, vector<1x1x1xf32>
    tpu.vector_store %arg4[%swap3A_12, %swap3A_13, %swap3A_14], %broadcast_in_dim3A {strides = array<i32>} : memref<1x1x1xf32, #tpu.memory_space<vmem>>, vector<1x1x1xf32>,
    return
  }
  func.func @transform_0(%arg0: i32) -> (i32, i32) {
    %c0_i32 = arith.constant 0 : i32
    %c0_i32_0 = arith.constant 0 : i32
    return %arg0, %c0_i32 : i32, i32
  }
  func.func @transform_1(%arg0: i32) -> (i32, i32) {
    %c0_i32 = arith.constant 0 : i32
    %c0_i32_0 = arith.constant 0 : i32
    return %arg0, %c0_i32 : i32, i32
  }
  func.func @transform_2(%arg0: i32) -> (i32, i32) {
    %c0_i32 = arith.constant 0 : i32
    %c0_i32_0 = arith.constant 0 : i32
    return %arg0, %c0_i32 : i32, i32
  }
  func.func @transform_3(%arg0: i32) -> (i32, i32, i32) {
    %c0_i32 = arith.constant 0 : i32
    %c0_i32_0 = arith.constant 0 : i32
    %c0_i32_1 = arith.constant 0 : i32
    return %arg0, %c0_i32, %c0_i32_0 : i32, i32, i32
  }
}

</mosaic_0001>

<sc_bundles>
// kernel: kernel.5.cloned.1.call-start
scs
__scs_entry_jumppad:
0x0: {  	(pc) =	sbr.rel $0x88, $3  }
0x1: {  	(tag) =	ssettag $0x0;
	lr =	simm.s32 $0x1  }
0x2: {  	[smem:$0x3F9F] =	sst lr;
	_ =	strace $0xD0000000  }
0x3: {  	_ = 	snop  }
0x4: {  	_ = 	snop  }
0x5: {  	_ = 	snop  }
0x6: {  	_ = 	snop  }
0x7: {  	_ = 	snop  }
__scs_overlays_trampoline_lowered:
0x8: {  	[smem:$0x3FAE] =	sst s0  }
0x9: {  	[smem:$0x3FAF] =	sst s1  }
0xa: {  	[smem:$0x3FB0] =	sst s2  }
0xb: {  	[smem:$0x3FB1] =	sst s3  }
0xc: {  	[smem:$0x3FB2] =	sst s4  }
0xd: {  	[smem:$0x3FB3] =	sst s5  }
0xe: {  	[smem:$0x3FB4] =	sst s6  }
0xf: {  	[smem:$0x3FB5] =	sst s7  }
0x10: {  	[smem:$0x3FB6] =	sst s8  }
0x11: {  	[smem:$0x3FB7] =	sst s9;
	s0 =	simm.s32 @!p0 $0x0  }
0x12: {  	s1 =	sld [smem:$0x3F9D];
	s0 =	simm.s32 @p0 $0x1  }
0x13: {  	[smem:$0x3FB8] =	sst s0;
	s0 =	simm.s32 @!p1 $0x0  }
0x14: {  	s2 =	sld [smem:$0x3F9C];
	s0 =	simm.s32 @p1 $0x1  }
0x15: {  	[smem:$0x3FB9] =	sst s0;
	s0 =	simm.s32 @!p2 $0x0  }
0x16: {  	s3 =	sld [smem:$0x3FDB];
	s0 =	simm.s32 @p2 $0x1  }
0x17: {  	s4 =	simm.s32 $0x1BF5;
	[smem:$0x3FBB] =	sst s0  }
0x18: {  	s0 =	sld [smem:$0x3F9E];
	_ =	swait.ge [sflag:s4], $0x0  }
0x19: {  	s7 =	sld [smem:$0x3F9F]  }
0x1a: {  	s8 =	sadd.s32 $0xFFFFE003, lr  }
0x1b: {  	s9 =	sadd.s32 $0xFFFFFEF7, lr;
	s5 =	simm.s32 $0xFFFFFFFF;
	p2 =	slt.u32 s8, $0xFFFFF086  }
0x1c: {  	p1 =	slt.u32 s9, $0xF7A;
	s5 =	simm.s32 @!p2 $0x0  }
0x1d: {  	s5 =	simm.s32 @p1 $0x1;
	p0 =	seq.s32 s7, s2  }
0x1e: {  	s7 =	smul.u32 @!p0 $0xF7A, s2;
	p2 =	seq.s32 @!p0 s5, $0x0  }
0x1f: {  	s9 =	smul.u32 $0xF7A, s1;
	s8 =	simm.s32 @!p0 $0x1BF5;
	p2 =	por !p2, p0  }
0x20: {  	[sflag:s8] =	ssyncset.s32 @!p0 $0xFFFFF086;
	s6 =	sadd.s32 @!p0 s3, s7;
	s7 =	simm.s32 @!p0 $0x108  }
0x21: {  	s3 =	sadd.s32 s3, s9;
	s6 =	sadd.s32 @!p0 $0x88, s6;
	s7 =	simm.s32 @p2 $0x1082  }
0x22: {  	[simem:s7], [sflag:s8] =	dma.local @!p0 [hbm:s6], $0xF7A  }
0x23: {  	s9 =	sor.u32 $0xD0000000, s2;
	s6 =	simm.s32 $0x108;
	_ =	swait.ge @!p0 [sflag:s8], $0x0  }
0x24: {  	s3 =	sadd.s32 $0x88, s3;
	s6 =	simm.s32 @!p1 $0x1082;
	[sflag:s4] =	ssyncset.s32 $0xFFFFF086  }
0x25: {  	[simem:s6], [sflag:s4] =	dma.local [hbm:s3], $0xF7A  }
0x26: {  	[smem:$0x3F9F] =	sst s1;
	(tag) =	ssettag s2;
	_ =	strace s9  }
0x27: {  	s1 =	sld [smem:$0x3FAF]  }
0x28: {  	s2 =	sld [smem:$0x3FB0]  }
0x29: {  	s4 =	sld [smem:$0x3FB2]  }
0x2a: {  	p0 =	seq.s32 s5, $0x0;
	s5 =	sld [smem:$0x3FB3]  }
0x2b: {  	s6 =	sld [smem:$0x3FB4]  }
0x2c: {  	s7 =	sld [smem:$0x3FB5]  }
0x2d: {  	s3 =	simm.s32 $0x108;
	s8 =	sld [smem:$0x3FB6]  }
0x2e: {  	s3 =	simm.s32 @!p0 $0x1082;
	s9 =	sld [smem:$0x3FB7]  }
0x2f: {  	lr =	sadd.s32 s0, s3;
	s0 =	sld [smem:$0x3FAE]  }
0x30: {  	s3 =	sld [smem:$0x3FB1]  }
0x31: {  	[smem:$0x3FBA] =	sst s10  }
0x32: {  	s10 =	sld [smem:$0x3FB8];
	_ =	sdelay $0x3  }
0x33: {  	p0 =	seq.s32 s10, $0x1;
	s10 =	sld [smem:$0x3FBA];
	_ =	sdelay $0x3  }
0x34: {  	[smem:$0x3FBA] =	sst s10  }
0x35: {  	s10 =	sld [smem:$0x3FB9];
	_ =	sdelay $0x3  }
0x36: {  	p1 =	seq.s32 s10, $0x1;
	s10 =	sld [smem:$0x3FBA];
	_ =	sdelay $0x3  }
0x37: {  	[smem:$0x3FBA] =	sst s10  }
0x38: {  	s10 =	sld [smem:$0x3FBB]  }
0x39: {  	_ = 	snop;
	(pc) =	sbr.ind lr, $3  }
0x3a: {  	_ = 	snop  }
0x3b: {  	_ = 	snop  }
0x3c: {  	p2 =	seq.s32 s10, $0x1;
	s10 =	sld [smem:$0x3FBA]  }
0x3d: {  	_ =	shalt  }
0x3e: {  	_ =	shalt  }
0x3f: {  	_ =	shalt  }
0x40: {  	_ =	shalt  }
0x41: {  	_ =	shalt  }
0x42: {  	_ =	shalt  }
0x43: {  	_ =	shalt  }
0x44: {  	_ =	shalt  }
0x45: {  	_ =	shalt  }
0x46: {  	_ =	shalt  }
0x47: {  	_ =	shalt  }
0x48: {  	_ =	shalt  }
0x49: {  	_ =	shalt  }
0x4a: {  	_ =	shalt  }
0x4b: {  	_ =	shalt  }
0x4c: {  	_ =	shalt  }
0x4d: {  	_ =	shalt  }
0x4e: {  	_ =	shalt  }
0x4f: {  	_ =	shalt  }
0x50: {  	_ =	shalt  }
0x51: {  	_ =	shalt  }
0x52: {  	_ =	shalt  }
0x53: {  	_ =	shalt  }
0x54: {  	_ =	shalt  }
0x55: {  	_ =	shalt  }
0x56: {  	_ =	shalt  }
0x57: {  	_ =	shalt  }
0x58: {  	_ =	shalt  }
0x59: {  	_ =	shalt  }
0x5a: {  	_ =	shalt  }
0x5b: {  	_ =	shalt  }
0x5c: {  	_ =	shalt  }
0x5d: {  	_ =	shalt  }
0x5e: {  	_ =	shalt  }
0x5f: {  	_ =	shalt  }
0x60: {  	_ =	shalt  }
0x61: {  	_ =	shalt  }
0x62: {  	_ =	shalt  }
0x63: {  	_ =	shalt  }
0x64: {  	_ =	shalt  }
0x65: {  	_ =	shalt  }
0x66: {  	_ =	shalt  }
0x67: {  	_ =	shalt  }
0x68: {  	_ =	shalt  }
0x69: {  	_ =	shalt  }
0x6a: {  	_ =	shalt  }
0x6b: {  	_ =	shalt  }
0x6c: {  	_ =	shalt  }
0x6d: {  	_ =	shalt  }
0x6e: {  	_ =	shalt  }
0x6f: {  	_ =	shalt  }
0x70: {  	_ =	shalt  }
0x71: {  	_ =	shalt  }
0x72: {  	_ =	shalt  }
0x73: {  	_ =	shalt  }
0x74: {  	_ =	shalt  }
0x75: {  	_ =	shalt  }
0x76: {  	_ =	shalt  }
0x77: {  	_ =	shalt  }
0x78: {  	_ =	shalt  }
0x79: {  	_ =	shalt  }
0x7a: {  	_ =	shalt  }
0x7b: {  	_ =	shalt  }
0x7c: {  	_ =	shalt  }
0x7d: {  	_ =	shalt  }
0x7e: {  	_ =	shalt  }
0x7f: {  	_ =	shalt  }
0x80: {  	_ =	shalt  }
0x81: {  	_ =	shalt  }
0x82: {  	_ =	shalt  }
0x83: {  	_ =	shalt  }
0x84: {  	_ =	shalt  }
0x85: {  	_ =	shalt  }
0x86: {  	_ =	shalt  }
0x87: {  	_ =	shalt  }
.Lfunc_end0:
.L_simem_size_0:
called_computation_lowered:
.L_overlay_start_0:
0x88: {  	s2 =	sld [smem:$0x3FD9]  }
0x89: {  	s3 =	sld [smem:$0x3FFE];
	_ =	sdelay $0x1  }
0x8a: {  	s1 =	srdreg.scid  }
0x8b: {  	s0 =	sand.u32 $0x1, s1  }
0x8c: {  	s14 =	sshll.u32 s0, $0xA;
	s2 =	sadd.s32 s3, s2  }
0x8d: {  	s2 =	sadd.s32 s2, s14  }
0x8e: {  	[smem:$0x3FC6] =	sst s2  }
0x8f: {  	_ = 	snop  }
0x90: {  	s2 =	sld [smem:$0x3FD0];
	_ =	sdelay $0x2  }
0x91: {  	s4 =	simm.s32 $0xA;
	s5 =	simm.s32 $0x10;
	s15 =	sld [smem:$0x3FC8]  }
0x92: {  	[smem:s5], [sflag:s4] =	dma.local [hbm:s2], $0x1  }
0x93: {  	_ =	swait.eq [sflag:s4], $0x1  }
0x94: {  	[sflag:s4] =	ssyncset.done $0x0  }
0x95: {  	[sflag:s4] =	ssyncadd.s32 $0xFFFFFFFF  }
0x96: {  	s16 =	sld [smem:$0x10];
	(tm) =	ssettm $0x1  }
0x97: {  	s17 =	sld [smem:$0x3FFB];
	_ =	sdelay $0x3  }
0x98: {  	_ =	strace s17  }
0x99: {  	s4 =	sld [smem:$0x3FFC];
	_ =	sdelay $0x3  }
0x9a: {  	_ =	strace s4  }
0x9b: {  	s4 =	sld [smem:$0x3FFD];
	_ =	sdelay $0x3  }
0x9c: {  	_ =	strace s4  }
0x9d: {  	_ =	strace $0x8FFFFFFF  }
0x9e: {  	s18 =	sld [smem:$0x3FDB];
	_ =	sdelay $0x1  }
0x9f: {  	s19 =	simm.s32 $_scs_section_size  }
0xa0: {  	s6 =	simm.s32 $_size__tile_overlayer_lowered;
	s7 =	simm.s32 $_tile_overlayer_lowered  }
0xa1: {  	s22 =	simm.s32 $0x1BFF;
	s21 =	sshll.u32 s7, $0x1;
	s4 =	sadd.s32 s19, s18  }
0xa2: {  	s8 =	simm.s32 $0x0;
	s20 =	sshll.u32 s6, $0x1;
	s6 =	sadd.s32 s21, s4  }
0xa3: {  	[timem:s8], [sflag:s22] =	dma.local [hbm:s6], s20  }
0xa4: {  	_ =	swait.ge [sflag:s22], s20  }
0xa5: {  	s5 =	ssub.s32 $0x0, s20;
	[sflag:s22] =	ssyncset.done $0x0  }
0xa6: {  	[sflag:s22] =	ssyncadd.s32 s5;
	_ =	sdelay $0x1  }
0xa7: {  	s23 =	simm.s32 $0x1B8B  }
0xa8: {  	_ =	swait.ge [sflag:s23], $0x1  }
0xa9: {  	[sflag:s23] =	ssyncset.done $0x0  }
0xaa: {  	s25 =	simm.s32 $0x1B8E;
	s24 =	sld [smem:$0x3FFE];
	[sflag:s23] =	ssyncadd.s32 $0xFFFFFFFF  }
0xab: {  	s26 =	simm.s32 $execute0_lowered;
	[smem:$0x3FD2] =	sst s25  }
0xac: {  	s6 =	sshll.u32 s26, $0x1;
	_ =	strace $0x80000046;
	[dreg:$0x1] =	wrdreg $0xFFFFFFFF  }
0xad: {  	s28 =	simm.s32 $_size_execute0_lowered;
	s4 =	sadd.s32 s4, s6;
	[dreg:$0x0] =	wrdreg $0x0  }
0xae: {  	s6 =	sshll.u32 s28, $0x1;
	[dreg:$0x2] =	wrdreg s4  }
0xaf: {  	[dreg:$0x3] =	wrdreg s6  }
0xb0: {  	[dreg:$0x4] =	wrdreg $0xC0  }
0xb1: {  	_ =	task [dreg:s8], $0x5FFFF  }
0xb2: {  	[dreg:$0x1] =	wrdreg $0xFFFFFFFF  }
0xb3: {  	[dreg:$0x0] =	wrdreg $0x60  }
0xb4: {  	[dreg:$0x2] =	wrdreg s15  }
0xb5: {  	[dreg:$0x3] =	wrdreg s16  }
0xb6: {  	[dreg:$0x4] =	wrdreg s24  }
0xb7: {  	[dreg:$0x5] =	wrdreg $0x9  }
0xb8: {  	_ =	task.clear_ibuf [dreg:s8], $0x6FFFF;
	_ =	strace $0x90000046  }
0xb9: {  	s29 =	simm.s32 $0x9;
	_ =	strace $0x80000048  }
0xba: {  	_ =	swait.ge [sflag:s29], $0x1  }
0xbb: {  	[sflag:s29] =	ssyncadd.s32 $0xFFFFFFFF  }
0xbc: {  	_ =	strace $0x90000048  }
0xbd: {  	_ =	sfence  }
0xbe: {  	s30 =	sld [smem:$0x0];
	_ =	sdelay $0x2  }
0xbf: {  	s31 =	sshll.u32 s1, $0xD;
	s1 =	sshrl.u32 s1, $0x2  }
0xc0: {  	s3 =	sand.u32 $0x4000, s31;
	s1 =	sadd.s32 s1, s30  }
0xc1: {  	s0 =	sor.u32 s3, s0;
	s1 =	sshll.u32 s1, $0x11  }
0xc2: {  	s0 =	sor.u32 s1, s0  }
0xc3: {  	s0 =	sadd.s32 $0x8F2B, s0  }
0xc4: {  	[sflag:s0] =	ssyncadd.remote.s32 $0x1  }
0xc5: {  	_ =	sfence.sel $0xFFFF  }
0xc6: {  	[dreg:$0x0] =	wrdreg $0xFFFFFFFF;
	(pc) =	sbr.abs _section_cstart, $3  }
0xc7: {  	[dreg:$0x1] =	wrdreg $0xFFFFFFFF  }
0xc8: {  	_ =	task.clear_ibuf [dreg:s8], $0x2FFFF;
	_ =	strace $0x9FFFFFFF  }
0xc9: {  	(tm) =	ssettm $0x7FFFFFFF  }
tec
execute0_lowered:
.L_overlay_start_1:
0x0: {  	(tag) =	ssettag $0x1  }
0x1: {  	s1 =	rddreg [dreg:$0x0]  }
0x2: {  	s0 =	rddreg [dreg:$0x1]  }
0x3: {  	s2 =	rddreg [dreg:$0x2];
	s4 =	srdreg.scid;
	s3 =	simm.s32 $0x0  }
0x4: {  	s5 =	stileid.u32;
	s12 =	simm.s32 $0x1;
	s14 =	simm.s32 $0x900  }
0x5: {  	s15 =	simm.s32 $0x1100;
	s16 =	simm.s32 $0x1900;
	s17 =	simm.s32 $0x2100  }
0x6: {  	s18 =	simm.s32 $0x2900;
	s19 =	simm.s32 $0x3100;
	s20 =	simm.s32 $0x3900  }
0x7: {  	s21 =	simm.s32 $0x4100;
	s22 =	simm.s32 $0x4900;
	s28 =	simm.s32 $0x7100  }
0x8: {  	s29 =	simm.s32 $0x7900;
	s30 =	simm.s32 $0x8100;
	s31 =	simm.s32 $0x8900  }
0x9: {  	s9 =	simm.s32 $0xB100;
	s10 =	simm.s32 $0xB900;
	s11 =	simm.s32 $0xC100  }
0xa: {  	s4 =	sand.u32 $0x1, s4;
	[smem:$0x7FF] =	sst s3;
	s5 =	sshll.u32 s5, $0xA  }
0xb: {  	s2 =	sadd.s32 $0x1600, s2;
	s6 =	sshll.u32 s4, $0x9;
	s4 =	ssub.s32 $0x2, s4  }
0xc: {  	_ =	strace $0x80000047;
	s5 =	sor.u32 s6, s5;
	s23 =	sshrl.u32 s4, $0x1  }
0xd: {  	s6 =	simm.s32 $0xC900;
	s7 =	sshrl.u32 s5, $0x3;
	s8 =	sshll.u32 s5, $0x5  }
0xe: {  	s5 =	sor.u32 $0x100, s5;
	s4 =	ssub.s32 s4, s23;
	s23 =	simm.s32 $0x5100  }
0xf: {  	s7 =	sadd.s32 s0, s7;
	s24 =	sadd.s32 s2, s8;
	s25 =	sshrl.u32 s5, $0x3  }
0x10: {  	s5 =	sshll.u32 s5, $0x5;
	s4 =	smax.u32 s4, $0x1;
	[dreg:$0x4] =	wrdreg s7  }
0x11: {  	s8 =	simm.s32 $0xA900;
	[dreg:$0x5] =	wrdreg s24;
	s0 =	sadd.s32 s0, s25  }
0x12: {  	v2 =	vlaneseq.u32;
	s26 =	sadd.s32 s2, s5;
	s5 =	simm.s32 $0x2;
	s24 =	simm.s32 $0x5900  }
0x13: {  	vm0 =	vmmov $0xffff;
	v1 =	vshrl.u32 v2, $0x3;
	s25 =	simm.s32 $0x6100;
	s2 =	simm.s32 $0x9900;
	[dreg:$0x6] =	wrdreg s0  }
0x14: {  	v0 =	vand.u32 $0x7, v2;
	v2 =	vor.u32 $0x8, v2;
	v1 =	vmul.u32 $0x8, v1;
	s7 =	simm.s32 $0xA100;
	[dreg:$0x7] =	wrdreg s26;
	s26 =	simm.s32 $0x6900  }
.LBB2_1:
0x15: {  	s13 =	rddreg [dreg:$0x4]  }
0x16: {  	[tilespmem:s3], [sflag:$0x2] =	stream.linear.gather [hbm4b:s13+s3], $0x100, $0x38;
	[tilespmem:$0x10100] =	vst v63  }
0x17: {  	_ =	swait.ge [sflag:s5], $0x100  }
0x18: {  	[sflag:s5] =	ssyncset.done $0x0  }
0x19: {  	[sflag:s5] =	ssyncadd.s32 $0xFFFFFF00  }
0x1a: {  	v3 =	vld [tilespmem:$0x0];
	_ =	sdelay $0x4  }
0x1b: {  	v4 =	vshll.u32 v3, $0x1  }
0x1c: {  	v3 =	vand.u32 $0x7, v3;
	v4 =	vand.u32 $0xFFFFFFF0, v4  }
0x1d: {  	v3 =	vor.u32 v3, v4  }
0x1e: {  	v4 =	vperm.xlane v3, v0;
	_ =	sdelay $0x1  }
0x1f: {  	v3 =	vperm.xlane v3, v2;
	v4 =	vadd.s32 v1, v4;
	_ =	sdelay $0x1  }
0x20: {  	v3 =	vadd.s32 v1, v3;
	_ =	sdelay $0x1  }
0x21: {  	s0 =	simm.s32 $0x100  }
0x22: {  	[tilespmem:s0], [sflag:$0x1] =	stream.indirect_vreg.gather [hbm4b:s1+s3], $0x80, v4, vm0, $0xb8;
	[tilespmem:$0x10100] =	vst v63  }
0x23: {  	_ = 	snop  }
0x24: {  	[tilespmem:s14], [sflag:$0x1] =	stream.indirect_vreg.gather [hbm4b:s1+s3], $0x80, v3, vm0, $0xb8;
	[tilespmem:$0x10100] =	vst v63  }
0x25: {  	v3 =	vld [tilespmem:$0x10];
	_ =	sdelay $0x4  }
0x26: {  	v33 =	vshll.u32 v3, $0x1  }
0x27: {  	v3 =	vand.u32 $0x7, v3;
	v4 =	vand.u32 $0xFFFFFFF0, v33  }
0x28: {  	v3 =	vor.u32 v3, v4  }
0x29: {  	v4 =	vperm.xlane v3, v0;
	_ =	sdelay $0x1  }
0x2a: {  	v3 =	vperm.xlane v3, v2;
	v4 =	vadd.s32 v1, v4;
	_ =	sdelay $0x1  }
0x2b: {  	v3 =	vadd.s32 v1, v3;
	_ =	sdelay $0x2  }
0x2c: {  	[tilespmem:s15], [sflag:$0x1] =	stream.indirect_vreg.gather [hbm4b:s1+s3], $0x80, v4, vm0, $0xb8;
	[tilespmem:$0x10100] =	vst v63  }
0x2d: {  	_ = 	snop  }
0x2e: {  	[tilespmem:s16], [sflag:$0x1] =	stream.indirect_vreg.gather [hbm4b:s1+s3], $0x80, v3, vm0, $0xb8;
	[tilespmem:$0x10100] =	vst v63  }
0x2f: {  	v3 =	vld [tilespmem:$0x20];
	_ =	sdelay $0x4  }
0x30: {  	v34 =	vshll.u32 v3, $0x1  }
0x31: {  	v3 =	vand.u32 $0x7, v3;
	v4 =	vand.u32 $0xFFFFFFF0, v34  }
0x32: {  	v3 =	vor.u32 v3, v4  }
0x33: {  	v4 =	vperm.xlane v3, v0;
	_ =	sdelay $0x1  }
0x34: {  	v3 =	vperm.xlane v3, v2;
	v4 =	vadd.s32 v1, v4;
	_ =	sdelay $0x1  }
0x35: {  	v3 =	vadd.s32 v1, v3;
	_ =	sdelay $0x2  }
0x36: {  	[tilespmem:s17], [sflag:$0x1] =	stream.indirect_vreg.gather [hbm4b:s1+s3], $0x80, v4, vm0, $0xb8;
	[tilespmem:$0x10100] =	vst v63  }
0x37: {  	_ = 	snop  }
0x38: {  	[tilespmem:s18], [sflag:$0x1] =	stream.indirect_vreg.gather [hbm4b:s1+s3], $0x80, v3, vm0, $0xb8;
	[tilespmem:$0x10100] =	vst v63  }
0x39: {  	v3 =	vld [tilespmem:$0x30];
	_ =	sdelay $0x4  }
0x3a: {  	v35 =	vshll.u32 v3, $0x1  }
0x3b: {  	v3 =	vand.u32 $0x7, v3;
	v4 =	vand.u32 $0xFFFFFFF0, v35  }
0x3c: {  	v3 =	vor.u32 v3, v4  }
0x3d: {  	v4 =	vperm.xlane v3, v0;
	_ =	sdelay $0x1  }
0x3e: {  	v3 =	vperm.xlane v3, v2;
	v4 =	vadd.s32 v1, v4;
	_ =	sdelay $0x1  }
0x3f: {  	v3 =	vadd.s32 v1, v3;
	_ =	sdelay $0x2  }
0x40: {  	[tilespmem:s19], [sflag:$0x1] =	stream.indirect_vreg.gather [hbm4b:s1+s3], $0x80, v4, vm0, $0xb8;
	[tilespmem:$0x10100] =	vst v63  }
0x41: {  	_ = 	snop  }
0x42: {  	[tilespmem:s20], [sflag:$0x1] =	stream.indirect_vreg.gather [hbm4b:s1+s3], $0x80, v3, vm0, $0xb8;
	[tilespmem:$0x10100] =	vst v63  }
0x43: {  	v3 =	vld [tilespmem:$0x40];
	_ =	sdelay $0x4  }
0x44: {  	v36 =	vshll.u32 v3, $0x1  }
0x45: {  	v3 =	vand.u32 $0x7, v3;
	v4 =	vand.u32 $0xFFFFFFF0, v36  }
0x46: {  	v3 =	vor.u32 v3, v4  }
0x47: {  	v4 =	vperm.xlane v3, v0;
	_ =	sdelay $0x1  }
0x48: {  	v3 =	vperm.xlane v3, v2;
	v4 =	vadd.s32 v1, v4;
	_ =	sdelay $0x1  }
0x49: {  	v3 =	vadd.s32 v1, v3;
	_ =	sdelay $0x2  }
0x4a: {  	[tilespmem:s21], [sflag:$0x1] =	stream.indirect_vreg.gather [hbm4b:s1+s3], $0x80, v4, vm0, $0xb8;
	[tilespmem:$0x10100] =	vst v63  }
0x4b: {  	_ = 	snop  }
0x4c: {  	[tilespmem:s22], [sflag:$0x1] =	stream.indirect_vreg.gather [hbm4b:s1+s3], $0x80, v3, vm0, $0xb8;
	[tilespmem:$0x10100] =	vst v63  }
0x4d: {  	v3 =	vld [tilespmem:$0x50];
	_ =	sdelay $0x4  }
0x4e: {  	v37 =	vshll.u32 v3, $0x1  }
0x4f: {  	v3 =	vand.u32 $0x7, v3;
	v4 =	vand.u32 $0xFFFFFFF0, v37  }
0x50: {  	v3 =	vor.u32 v3, v4  }
0x51: {  	v4 =	vperm.xlane v3, v0;
	_ =	sdelay $0x1  }
0x52: {  	v3 =	vperm.xlane v3, v2;
	v4 =	vadd.s32 v1, v4;
	_ =	sdelay $0x1  }
0x53: {  	v3 =	vadd.s32 v1, v3;
	_ =	sdelay $0x2  }
0x54: {  	[tilespmem:s23], [sflag:$0x1] =	stream.indirect_vreg.gather [hbm4b:s1+s3], $0x80, v4, vm0, $0xb8;
	[tilespmem:$0x10100] =	vst v63  }
0x55: {  	_ = 	snop  }
0x56: {  	[tilespmem:s24], [sflag:$0x1] =	stream.indirect_vreg.gather [hbm4b:s1+s3], $0x80, v3, vm0, $0xb8;
	[tilespmem:$0x10100] =	vst v63  }
0x57: {  	v3 =	vld [tilespmem:$0x60];
	_ =	sdelay $0x4  }
0x58: {  	v38 =	vshll.u32 v3, $0x1  }
0x59: {  	v3 =	vand.u32 $0x7, v3;
	v4 =	vand.u32 $0xFFFFFFF0, v38  }
0x5a: {  	v3 =	vor.u32 v3, v4  }
0x5b: {  	v4 =	vperm.xlane v3, v0;
	_ =	sdelay $0x1  }
0x5c: {  	v3 =	vperm.xlane v3, v2;
	v4 =	vadd.s32 v1, v4;
	_ =	sdelay $0x1  }
0x5d: {  	v3 =	vadd.s32 v1, v3;
	_ =	sdelay $0x2  }
0x5e: {  	[tilespmem:s25], [sflag:$0x1] =	stream.indirect_vreg.gather [hbm4b:s1+s3], $0x80, v4, vm0, $0xb8;
	[tilespmem:$0x10100] =	vst v63  }
0x5f: {  	_ = 	snop  }
0x60: {  	[tilespmem:s26], [sflag:$0x1] =	stream.indirect_vreg.gather [hbm4b:s1+s3], $0x80, v3, vm0, $0xb8;
	[tilespmem:$0x10100] =	vst v63  }
0x61: {  	v3 =	vld [tilespmem:$0x70];
	_ =	sdelay $0x4  }
0x62: {  	v39 =	vshll.u32 v3, $0x1  }
0x63: {  	v3 =	vand.u32 $0x7, v3;
	v4 =	vand.u32 $0xFFFFFFF0, v39  }
0x64: {  	v3 =	vor.u32 v3, v4  }
0x65: {  	v4 =	vperm.xlane v3, v0;
	_ =	sdelay $0x1  }
0x66: {  	v3 =	vperm.xlane v3, v2;
	v4 =	vadd.s32 v1, v4;
	_ =	sdelay $0x1  }
0x67: {  	v3 =	vadd.s32 v1, v3;
	_ =	sdelay $0x2  }
0x68: {  	[tilespmem:s28], [sflag:$0x1] =	stream.indirect_vreg.gather [hbm4b:s1+s3], $0x80, v4, vm0, $0xb8;
	[tilespmem:$0x10100] =	vst v63  }
0x69: {  	_ = 	snop  }
0x6a: {  	[tilespmem:s29], [sflag:$0x1] =	stream.indirect_vreg.gather [hbm4b:s1+s3], $0x80, v3, vm0, $0xb8;
	[tilespmem:$0x10100] =	vst v63  }
0x6b: {  	v3 =	vld [tilespmem:$0x80];
	_ =	sdelay $0x4  }
0x6c: {  	v40 =	vshll.u32 v3, $0x1  }
0x6d: {  	v3 =	vand.u32 $0x7, v3;
	v4 =	vand.u32 $0xFFFFFFF0, v40  }
0x6e: {  	v3 =	vor.u32 v3, v4  }
0x6f: {  	v4 =	vperm.xlane v3, v0;
	_ =	sdelay $0x1  }
0x70: {  	v3 =	vperm.xlane v3, v2;
	v4 =	vadd.s32 v1, v4;
	_ =	sdelay $0x1  }
0x71: {  	v3 =	vadd.s32 v1, v3;
	_ =	sdelay $0x2  }
0x72: {  	[tilespmem:s30], [sflag:$0x1] =	stream.indirect_vreg.gather [hbm4b:s1+s3], $0x80, v4, vm0, $0xb8;
	[tilespmem:$0x10100] =	vst v63  }
0x73: {  	_ = 	snop  }
0x74: {  	[tilespmem:s31], [sflag:$0x1] =	stream.indirect_vreg.gather [hbm4b:s1+s3], $0x80, v3, vm0, $0xb8;
	[tilespmem:$0x10100] =	vst v63  }
0x75: {  	v3 =	vld [tilespmem:$0x90];
	_ =	sdelay $0x4  }
0x76: {  	v41 =	vshll.u32 v3, $0x1  }
0x77: {  	v3 =	vand.u32 $0x7, v3;
	v4 =	vand.u32 $0xFFFFFFF0, v41  }
0x78: {  	v3 =	vor.u32 v3, v4  }
0x79: {  	v4 =	vperm.xlane v3, v0;
	_ =	sdelay $0x1  }
0x7a: {  	v3 =	vperm.xlane v3, v2;
	v4 =	vadd.s32 v1, v4;
	_ =	sdelay $0x1  }
0x7b: {  	v3 =	vadd.s32 v1, v3;
	_ =	sdelay $0x1  }
0x7c: {  	s13 =	simm.s32 $0x9100  }
0x7d: {  	[tilespmem:s13], [sflag:$0x1] =	stream.indirect_vreg.gather [hbm4b:s1+s3], $0x80, v4, vm0, $0xb8;
	[tilespmem:$0x10100] =	vst v63  }
0x7e: {  	_ = 	snop  }
0x7f: {  	[tilespmem:s2], [sflag:$0x1] =	stream.indirect_vreg.gather [hbm4b:s1+s3], $0x80, v3, vm0, $0xb8;
	[tilespmem:$0x10100] =	vst v63  }
0x80: {  	v3 =	vld [tilespmem:$0xA0];
	_ =	sdelay $0x4  }
0x81: {  	v42 =	vshll.u32 v3, $0x1  }
0x82: {  	v3 =	vand.u32 $0x7, v3;
	v4 =	vand.u32 $0xFFFFFFF0, v42  }
0x83: {  	v3 =	vor.u32 v3, v4  }
0x84: {  	v4 =	vperm.xlane v3, v0;
	_ =	sdelay $0x1  }
0x85: {  	v3 =	vperm.xlane v3, v2;
	v4 =	vadd.s32 v1, v4;
	_ =	sdelay $0x1  }
0x86: {  	v3 =	vadd.s32 v1, v3;
	_ =	sdelay $0x2  }
0x87: {  	[tilespmem:s7], [sflag:$0x1] =	stream.indirect_vreg.gather [hbm4b:s1+s3], $0x80, v4, vm0, $0xb8;
	[tilespmem:$0x10100] =	vst v63  }
0x88: {  	_ = 	snop  }
0x89: {  	[tilespmem:s8], [sflag:$0x1] =	stream.indirect_vreg.gather [hbm4b:s1+s3], $0x80, v3, vm0, $0xb8;
	[tilespmem:$0x10100] =	vst v63  }
0x8a: {  	v3 =	vld [tilespmem:$0xB0];
	_ =	sdelay $0x4  }
0x8b: {  	v43 =	vshll.u32 v3, $0x1  }
0x8c: {  	v3 =	vand.u32 $0x7, v3;
	v4 =	vand.u32 $0xFFFFFFF0, v43  }
0x8d: {  	v3 =	vor.u32 v3, v4  }
0x8e: {  	v4 =	vperm.xlane v3, v0;
	_ =	sdelay $0x1  }
0x8f: {  	v3 =	vperm.xlane v3, v2;
	v4 =	vadd.s32 v1, v4;
	_ =	sdelay $0x1  }
0x90: {  	v3 =	vadd.s32 v1, v3;
	_ =	sdelay $0x2  }
0x91: {  	[tilespmem:s9], [sflag:$0x1] =	stream.indirect_vreg.gather [hbm4b:s1+s3], $0x80, v4, vm0, $0xb8;
	[tilespmem:$0x10100] =	vst v63  }
0x92: {  	_ = 	snop  }
0x93: {  	[tilespmem:s10], [sflag:$0x1] =	stream.indirect_vreg.gather [hbm4b:s1+s3], $0x80, v3, vm0, $0xb8;
	[tilespmem:$0x10100] =	vst v63  }
0x94: {  	v3 =	vld [tilespmem:$0xC0];
	_ =	sdelay $0x4  }
0x95: {  	v44 =	vshll.u32 v3, $0x1  }
0x96: {  	v3 =	vand.u32 $0x7, v3;
	v4 =	vand.u32 $0xFFFFFFF0, v44  }
0x97: {  	v3 =	vor.u32 v3, v4  }
0x98: {  	v4 =	vperm.xlane v3, v0;
	_ =	sdelay $0x1  }
0x99: {  	v3 =	vperm.xlane v3, v2;
	v4 =	vadd.s32 v1, v4;
	_ =	sdelay $0x1  }
0x9a: {  	v3 =	vadd.s32 v1, v3;
	_ =	sdelay $0x2  }
0x9b: {  	[tilespmem:s11], [sflag:$0x1] =	stream.indirect_vreg.gather [hbm4b:s1+s3], $0x80, v4, vm0, $0xb8;
	[tilespmem:$0x10100] =	vst v63  }
0x9c: {  	_ = 	snop  }
0x9d: {  	[tilespmem:s6], [sflag:$0x1] =	stream.indirect_vreg.gather [hbm4b:s1+s3], $0x80, v3, vm0, $0xb8;
	[tilespmem:$0x10100] =	vst v63  }
0x9e: {  	v3 =	vld [tilespmem:$0xD0];
	_ =	sdelay $0x4  }
0x9f: {  	v45 =	vshll.u32 v3, $0x1  }
0xa0: {  	v3 =	vand.u32 $0x7, v3;
	v4 =	vand.u32 $0xFFFFFFF0, v45  }
0xa1: {  	v3 =	vor.u32 v3, v4  }
0xa2: {  	v4 =	vperm.xlane v3, v0;
	_ =	sdelay $0x1  }
0xa3: {  	v3 =	vperm.xlane v3, v2;
	v4 =	vadd.s32 v1, v4;
	_ =	sdelay $0x1  }
0xa4: {  	v3 =	vadd.s32 v1, v3;
	_ =	sdelay $0x1  }
0xa5: {  	s13 =	simm.s32 $0xD100  }
0xa6: {  	[tilespmem:s13], [sflag:$0x1] =	stream.indirect_vreg.gather [hbm4b:s1+s3], $0x80, v4, vm0, $0xb8;
	[tilespmem:$0x10100] =	vst v63  }
0xa7: {  	s13 =	simm.s32 $0xD900  }
0xa8: {  	[tilespmem:s13], [sflag:$0x1] =	stream.indirect_vreg.gather [hbm4b:s1+s3], $0x80, v3, vm0, $0xb8;
	[tilespmem:$0x10100] =	vst v63  }
0xa9: {  	v3 =	vld [tilespmem:$0xE0];
	_ =	sdelay $0x4  }
0xaa: {  	v46 =	vshll.u32 v3, $0x1  }
0xab: {  	v3 =	vand.u32 $0x7, v3;
	v4 =	vand.u32 $0xFFFFFFF0, v46  }
0xac: {  	v3 =	vor.u32 v3, v4  }
0xad: {  	v4 =	vperm.xlane v3, v0;
	_ =	sdelay $0x1  }
0xae: {  	v3 =	vperm.xlane v3, v2;
	v4 =	vadd.s32 v1, v4;
	_ =	sdelay $0x1  }
0xaf: {  	v3 =	vadd.s32 v1, v3;
	_ =	sdelay $0x1  }
0xb0: {  	s13 =	simm.s32 $0xE100  }
0xb1: {  	[tilespmem:s13], [sflag:$0x1] =	stream.indirect_vreg.gather [hbm4b:s1+s3], $0x80, v4, vm0, $0xb8;
	[tilespmem:$0x10100] =	vst v63  }
0xb2: {  	s13 =	simm.s32 $0xE900  }
0xb3: {  	[tilespmem:s13], [sflag:$0x1] =	stream.indirect_vreg.gather [hbm4b:s1+s3], $0x80, v3, vm0, $0xb8;
	[tilespmem:$0x10100] =	vst v63  }
0xb4: {  	v3 =	vld [tilespmem:$0xF0];
	_ =	sdelay $0x4  }
0xb5: {  	v47 =	vshll.u32 v3, $0x1  }
0xb6: {  	v3 =	vand.u32 $0x7, v3;
	v4 =	vand.u32 $0xFFFFFFF0, v47  }
0xb7: {  	v3 =	vor.u32 v3, v4  }
0xb8: {  	v4 =	vperm.xlane v3, v0;
	_ =	sdelay $0x1  }
0xb9: {  	v3 =	vperm.xlane v3, v2;
	v4 =	vadd.s32 v1, v4;
	_ =	sdelay $0x1  }
0xba: {  	v3 =	vadd.s32 v1, v3;
	_ =	sdelay $0x1  }
0xbb: {  	s13 =	simm.s32 $0xF100  }
0xbc: {  	[tilespmem:s13], [sflag:$0x1] =	stream.indirect_vreg.gather [hbm4b:s1+s3], $0x80, v4, vm0, $0xb8;
	[tilespmem:$0x10100] =	vst v63  }
0xbd: {  	s13 =	simm.s32 $0xF900  }
0xbe: {  	[tilespmem:s13], [sflag:$0x1] =	stream.indirect_vreg.gather [hbm4b:s1+s3], $0x80, v3, vm0, $0xb8;
	[tilespmem:$0x10100] =	vst v63  }
0xbf: {  	_ =	swait.ge [sflag:s12], $0x10000  }
0xc0: {  	[sflag:s12] =	ssyncset.done $0x0  }
0xc1: {  	s0 =	simm.s32 $0x100;
	s13 =	rddreg [dreg:$0x5];
	[sflag:s12] =	ssyncadd.s32 $0xFFFF0000  }
0xc2: {  	[hbm4b:s13+s3] =	stream.linear.scatter [tilespmem:s0], [sflag:$0x2], $0x10000, $0x38;
	[tilespmem:$0x10100] =	vst v63  }
0xc3: {  	_ =	swait.ge [sflag:s5], $0x10000  }
0xc4: {  	[sflag:s5] =	ssyncset.done $0x0  }
0xc5: {  	s13 =	rddreg [dreg:$0x6];
	[sflag:s5] =	ssyncadd.s32 $0xFFFF0000  }
0xc6: {  	[tilespmem:s3], [sflag:$0x2] =	stream.linear.gather [hbm4b:s13+s3], $0x100, $0x38;
	[tilespmem:$0x10100] =	vst v63  }
0xc7: {  	_ =	swait.ge [sflag:s5], $0x100  }
0xc8: {  	[sflag:s5] =	ssyncset.done $0x0  }
0xc9: {  	[sflag:s5] =	ssyncadd.s32 $0xFFFFFF00  }
0xca: {  	v3 =	vld [tilespmem:$0x0];
	_ =	sdelay $0x4  }
0xcb: {  	v48 =	vshll.u32 v3, $0x1  }
0xcc: {  	v3 =	vand.u32 $0x7, v3;
	v4 =	vand.u32 $0xFFFFFFF0, v48  }
0xcd: {  	v3 =	vor.u32 v3, v4  }
0xce: {  	v4 =	vperm.xlane v3, v0;
	_ =	sdelay $0x1  }
0xcf: {  	v3 =	vperm.xlane v3, v2;
	v4 =	vadd.s32 v1, v4;
	_ =	sdelay $0x1  }
0xd0: {  	v3 =	vadd.s32 v1, v3;
	_ =	sdelay $0x2  }
0xd1: {  	[tilespmem:s0], [sflag:$0x1] =	stream.indirect_vreg.gather [hbm4b:s1+s3], $0x80, v4, vm0, $0xb8;
	[tilespmem:$0x10100] =	vst v63  }
0xd2: {  	_ = 	snop  }
0xd3: {  	[tilespmem:s14], [sflag:$0x1] =	stream.indirect_vreg.gather [hbm4b:s1+s3], $0x80, v3, vm0, $0xb8;
	[tilespmem:$0x10100] =	vst v63  }
0xd4: {  	v3 =	vld [tilespmem:$0x10];
	_ =	sdelay $0x4  }
0xd5: {  	v49 =	vshll.u32 v3, $0x1  }
0xd6: {  	v3 =	vand.u32 $0x7, v3;
	v4 =	vand.u32 $0xFFFFFFF0, v49  }
0xd7: {  	v3 =	vor.u32 v3, v4  }
0xd8: {  	v4 =	vperm.xlane v3, v0;
	_ =	sdelay $0x1  }
0xd9: {  	v3 =	vperm.xlane v3, v2;
	v4 =	vadd.s32 v1, v4;
	_ =	sdelay $0x1  }
0xda: {  	v3 =	vadd.s32 v1, v3;
	_ =	sdelay $0x2  }
0xdb: {  	[tilespmem:s15], [sflag:$0x1] =	stream.indirect_vreg.gather [hbm4b:s1+s3], $0x80, v4, vm0, $0xb8;
	[tilespmem:$0x10100] =	vst v63  }
0xdc: {  	_ = 	snop  }
0xdd: {  	[tilespmem:s16], [sflag:$0x1] =	stream.indirect_vreg.gather [hbm4b:s1+s3], $0x80, v3, vm0, $0xb8;
	[tilespmem:$0x10100] =	vst v63  }
0xde: {  	v3 =	vld [tilespmem:$0x20];
	_ =	sdelay $0x4  }
0xdf: {  	v50 =	vshll.u32 v3, $0x1  }
0xe0: {  	v3 =	vand.u32 $0x7, v3;
	v4 =	vand.u32 $0xFFFFFFF0, v50  }
0xe1: {  	v3 =	vor.u32 v3, v4  }
0xe2: {  	v4 =	vperm.xlane v3, v0;
	_ =	sdelay $0x1  }
0xe3: {  	v3 =	vperm.xlane v3, v2;
	v4 =	vadd.s32 v1, v4;
	_ =	sdelay $0x1  }
0xe4: {  	v3 =	vadd.s32 v1, v3;
	_ =	sdelay $0x2  }
0xe5: {  	[tilespmem:s17], [sflag:$0x1] =	stream.indirect_vreg.gather [hbm4b:s1+s3], $0x80, v4, vm0, $0xb8;
	[tilespmem:$0x10100] =	vst v63  }
0xe6: {  	_ = 	snop  }
0xe7: {  	[tilespmem:s18], [sflag:$0x1] =	stream.indirect_vreg.gather [hbm4b:s1+s3], $0x80, v3, vm0, $0xb8;
	[tilespmem:$0x10100] =	vst v63  }
0xe8: {  	v3 =	vld [tilespmem:$0x30];
	_ =	sdelay $0x4  }
0xe9: {  	v51 =	vshll.u32 v3, $0x1  }
0xea: {  	v3 =	vand.u32 $0x7, v3;
	v4 =	vand.u32 $0xFFFFFFF0, v51  }
0xeb: {  	v3 =	vor.u32 v3, v4  }
0xec: {  	v4 =	vperm.xlane v3, v0;
	_ =	sdelay $0x1  }
0xed: {  	v3 =	vperm.xlane v3, v2;
	v4 =	vadd.s32 v1, v4;
	_ =	sdelay $0x1  }
0xee: {  	v3 =	vadd.s32 v1, v3;
	_ =	sdelay $0x2  }
0xef: {  	[tilespmem:s19], [sflag:$0x1] =	stream.indirect_vreg.gather [hbm4b:s1+s3], $0x80, v4, vm0, $0xb8;
	[tilespmem:$0x10100] =	vst v63  }
0xf0: {  	_ = 	snop  }
0xf1: {  	[tilespmem:s20], [sflag:$0x1] =	stream.indirect_vreg.gather [hbm4b:s1+s3], $0x80, v3, vm0, $0xb8;
	[tilespmem:$0x10100] =	vst v63  }
0xf2: {  	v3 =	vld [tilespmem:$0x40];
	_ =	sdelay $0x4  }
0xf3: {  	v52 =	vshll.u32 v3, $0x1  }
0xf4: {  	v3 =	vand.u32 $0x7, v3;
	v4 =	vand.u32 $0xFFFFFFF0, v52  }
0xf5: {  	v3 =	vor.u32 v3, v4  }
0xf6: {  	v4 =	vperm.xlane v3, v0;
	_ =	sdelay $0x1  }
0xf7: {  	v3 =	vperm.xlane v3, v2;
	v4 =	vadd.s32 v1, v4;
	_ =	sdelay $0x1  }
0xf8: {  	v3 =	vadd.s32 v1, v3;
	_ =	sdelay $0x2  }
0xf9: {  	[tilespmem:s21], [sflag:$0x1] =	stream.indirect_vreg.gather [hbm4b:s1+s3], $0x80, v4, vm0, $0xb8;
	[tilespmem:$0x10100] =	vst v63  }
0xfa: {  	_ = 	snop  }
0xfb: {  	[tilespmem:s22], [sflag:$0x1] =	stream.indirect_vreg.gather [hbm4b:s1+s3], $0x80, v3, vm0, $0xb8;
	[tilespmem:$0x10100] =	vst v63  }
0xfc: {  	v3 =	vld [tilespmem:$0x50];
	_ =	sdelay $0x4  }
0xfd: {  	v53 =	vshll.u32 v3, $0x1  }
0xfe: {  	v3 =	vand.u32 $0x7, v3;
	v4 =	vand.u32 $0xFFFFFFF0, v53  }
0xff: {  	v3 =	vor.u32 v3, v4  }
0x100: {  	v4 =	vperm.xlane v3, v0;
	_ =	sdelay $0x1  }
0x101: {  	v3 =	vperm.xlane v3, v2;
	v4 =	vadd.s32 v1, v4;
	_ =	sdelay $0x1  }
0x102: {  	v3 =	vadd.s32 v1, v3;
	_ =	sdelay $0x2  }
0x103: {  	[tilespmem:s23], [sflag:$0x1] =	stream.indirect_vreg.gather [hbm4b:s1+s3], $0x80, v4, vm0, $0xb8;
	[tilespmem:$0x10100] =	vst v63  }
0x104: {  	_ = 	snop  }
0x105: {  	[tilespmem:s24], [sflag:$0x1] =	stream.indirect_vreg.gather [hbm4b:s1+s3], $0x80, v3, vm0, $0xb8;
	[tilespmem:$0x10100] =	vst v63  }
0x106: {  	v3 =	vld [tilespmem:$0x60];
	_ =	sdelay $0x4  }
0x107: {  	v54 =	vshll.u32 v3, $0x1  }
0x108: {  	v3 =	vand.u32 $0x7, v3;
	v4 =	vand.u32 $0xFFFFFFF0, v54  }
0x109: {  	v3 =	vor.u32 v3, v4  }
0x10a: {  	v4 =	vperm.xlane v3, v0;
	_ =	sdelay $0x1  }
0x10b: {  	v3 =	vperm.xlane v3, v2;
	v4 =	vadd.s32 v1, v4;
	_ =	sdelay $0x1  }
0x10c: {  	v3 =	vadd.s32 v1, v3;
	_ =	sdelay $0x2  }
0x10d: {  	[tilespmem:s25], [sflag:$0x1] =	stream.indirect_vreg.gather [hbm4b:s1+s3], $0x80, v4, vm0, $0xb8;
	[tilespmem:$0x10100] =	vst v63  }
0x10e: {  	_ = 	snop  }
0x10f: {  	[tilespmem:s26], [sflag:$0x1] =	stream.indirect_vreg.gather [hbm4b:s1+s3], $0x80, v3, vm0, $0xb8;
	[tilespmem:$0x10100] =	vst v63  }
0x110: {  	v3 =	vld [tilespmem:$0x70];
	_ =	sdelay $0x4  }
0x111: {  	v55 =	vshll.u32 v3, $0x1  }
0x112: {  	v3 =	vand.u32 $0x7, v3;
	v4 =	vand.u32 $0xFFFFFFF0, v55  }
0x113: {  	v3 =	vor.u32 v3, v4  }
0x114: {  	v4 =	vperm.xlane v3, v0;
	_ =	sdelay $0x1  }
0x115: {  	v3 =	vperm.xlane v3, v2;
	v4 =	vadd.s32 v1, v4;
	_ =	sdelay $0x1  }
0x116: {  	v3 =	vadd.s32 v1, v3;
	_ =	sdelay $0x2  }
0x117: {  	[tilespmem:s28], [sflag:$0x1] =	stream.indirect_vreg.gather [hbm4b:s1+s3], $0x80, v4, vm0, $0xb8;
	[tilespmem:$0x10100] =	vst v63  }
0x118: {  	_ = 	snop  }
0x119: {  	[tilespmem:s29], [sflag:$0x1] =	stream.indirect_vreg.gather [hbm4b:s1+s3], $0x80, v3, vm0, $0xb8;
	[tilespmem:$0x10100] =	vst v63  }
0x11a: {  	v3 =	vld [tilespmem:$0x80];
	_ =	sdelay $0x4  }
0x11b: {  	v56 =	vshll.u32 v3, $0x1  }
0x11c: {  	v3 =	vand.u32 $0x7, v3;
	v4 =	vand.u32 $0xFFFFFFF0, v56  }
0x11d: {  	v3 =	vor.u32 v3, v4  }
0x11e: {  	v4 =	vperm.xlane v3, v0;
	_ =	sdelay $0x1  }
0x11f: {  	v3 =	vperm.xlane v3, v2;
	v4 =	vadd.s32 v1, v4;
	_ =	sdelay $0x1  }
0x120: {  	v3 =	vadd.s32 v1, v3;
	_ =	sdelay $0x2  }
0x121: {  	[tilespmem:s30], [sflag:$0x1] =	stream.indirect_vreg.gather [hbm4b:s1+s3], $0x80, v4, vm0, $0xb8;
	[tilespmem:$0x10100] =	vst v63  }
0x122: {  	_ = 	snop  }
0x123: {  	[tilespmem:s31], [sflag:$0x1] =	stream.indirect_vreg.gather [hbm4b:s1+s3], $0x80, v3, vm0, $0xb8;
	[tilespmem:$0x10100] =	vst v63  }
0x124: {  	v3 =	vld [tilespmem:$0x90];
	_ =	sdelay $0x4  }
0x125: {  	v57 =	vshll.u32 v3, $0x1  }
0x126: {  	v3 =	vand.u32 $0x7, v3;
	v4 =	vand.u32 $0xFFFFFFF0, v57  }
0x127: {  	v3 =	vor.u32 v3, v4  }
0x128: {  	v4 =	vperm.xlane v3, v0;
	_ =	sdelay $0x1  }
0x129: {  	v3 =	vperm.xlane v3, v2;
	v4 =	vadd.s32 v1, v4;
	_ =	sdelay $0x1  }
0x12a: {  	v3 =	vadd.s32 v1, v3;
	_ =	sdelay $0x1  }
0x12b: {  	s13 =	simm.s32 $0x9100  }
0x12c: {  	[tilespmem:s13], [sflag:$0x1] =	stream.indirect_vreg.gather [hbm4b:s1+s3], $0x80, v4, vm0, $0xb8;
	[tilespmem:$0x10100] =	vst v63  }
0x12d: {  	_ = 	snop  }
0x12e: {  	[tilespmem:s2], [sflag:$0x1] =	stream.indirect_vreg.gather [hbm4b:s1+s3], $0x80, v3, vm0, $0xb8;
	[tilespmem:$0x10100] =	vst v63  }
0x12f: {  	v3 =	vld [tilespmem:$0xA0];
	_ =	sdelay $0x4  }
0x130: {  	v58 =	vshll.u32 v3, $0x1  }
0x131: {  	v3 =	vand.u32 $0x7, v3;
	v4 =	vand.u32 $0xFFFFFFF0, v58  }
0x132: {  	v3 =	vor.u32 v3, v4  }
0x133: {  	v4 =	vperm.xlane v3, v0;
	_ =	sdelay $0x1  }
0x134: {  	v3 =	vperm.xlane v3, v2;
	v4 =	vadd.s32 v1, v4;
	_ =	sdelay $0x1  }
0x135: {  	v3 =	vadd.s32 v1, v3;
	_ =	sdelay $0x2  }
0x136: {  	[tilespmem:s7], [sflag:$0x1] =	stream.indirect_vreg.gather [hbm4b:s1+s3], $0x80, v4, vm0, $0xb8;
	[tilespmem:$0x10100] =	vst v63  }
0x137: {  	_ = 	snop  }
0x138: {  	[tilespmem:s8], [sflag:$0x1] =	stream.indirect_vreg.gather [hbm4b:s1+s3], $0x80, v3, vm0, $0xb8;
	[tilespmem:$0x10100] =	vst v63  }
0x139: {  	v3 =	vld [tilespmem:$0xB0];
	_ =	sdelay $0x4  }
0x13a: {  	v59 =	vshll.u32 v3, $0x1  }
0x13b: {  	v3 =	vand.u32 $0x7, v3;
	v4 =	vand.u32 $0xFFFFFFF0, v59  }
0x13c: {  	v3 =	vor.u32 v3, v4  }
0x13d: {  	v4 =	vperm.xlane v3, v0;
	_ =	sdelay $0x1  }
0x13e: {  	v3 =	vperm.xlane v3, v2;
	v4 =	vadd.s32 v1, v4;
	_ =	sdelay $0x1  }
0x13f: {  	v3 =	vadd.s32 v1, v3;
	_ =	sdelay $0x2  }
0x140: {  	[tilespmem:s9], [sflag:$0x1] =	stream.indirect_vreg.gather [hbm4b:s1+s3], $0x80, v4, vm0, $0xb8;
	[tilespmem:$0x10100] =	vst v63  }
0x141: {  	_ = 	snop  }
0x142: {  	[tilespmem:s10], [sflag:$0x1] =	stream.indirect_vreg.gather [hbm4b:s1+s3], $0x80, v3, vm0, $0xb8;
	[tilespmem:$0x10100] =	vst v63  }
0x143: {  	v3 =	vld [tilespmem:$0xC0];
	_ =	sdelay $0x4  }
0x144: {  	v60 =	vshll.u32 v3, $0x1  }
0x145: {  	v3 =	vand.u32 $0x7, v3;
	v4 =	vand.u32 $0xFFFFFFF0, v60  }
0x146: {  	v3 =	vor.u32 v3, v4  }
0x147: {  	v4 =	vperm.xlane v3, v0;
	_ =	sdelay $0x1  }
0x148: {  	v3 =	vperm.xlane v3, v2;
	v4 =	vadd.s32 v1, v4;
	_ =	sdelay $0x1  }
0x149: {  	v3 =	vadd.s32 v1, v3;
	_ =	sdelay $0x2  }
0x14a: {  	[tilespmem:s11], [sflag:$0x1] =	stream.indirect_vreg.gather [hbm4b:s1+s3], $0x80, v4, vm0, $0xb8;
	[tilespmem:$0x10100] =	vst v63  }
0x14b: {  	_ = 	snop  }
0x14c: {  	[tilespmem:s6], [sflag:$0x1] =	stream.indirect_vreg.gather [hbm4b:s1+s3], $0x80, v3, vm0, $0xb8;
	[tilespmem:$0x10100] =	vst v63  }
0x14d: {  	v3 =	vld [tilespmem:$0xD0];
	_ =	sdelay $0x4  }
0x14e: {  	v61 =	vshll.u32 v3, $0x1  }
0x14f: {  	v3 =	vand.u32 $0x7, v3;
	v4 =	vand.u32 $0xFFFFFFF0, v61  }
0x150: {  	v3 =	vor.u32 v3, v4  }
0x151: {  	v4 =	vperm.xlane v3, v0;
	_ =	sdelay $0x1  }
0x152: {  	v3 =	vperm.xlane v3, v2;
	v4 =	vadd.s32 v1, v4;
	_ =	sdelay $0x1  }
0x153: {  	v3 =	vadd.s32 v1, v3;
	_ =	sdelay $0x1  }
0x154: {  	s13 =	simm.s32 $0xD100  }
0x155: {  	[tilespmem:s13], [sflag:$0x1] =	stream.indirect_vreg.gather [hbm4b:s1+s3], $0x80, v4, vm0, $0xb8;
	[tilespmem:$0x10100] =	vst v63  }
0x156: {  	s13 =	simm.s32 $0xD900  }
0x157: {  	[tilespmem:s13], [sflag:$0x1] =	stream.indirect_vreg.gather [hbm4b:s1+s3], $0x80, v3, vm0, $0xb8;
	[tilespmem:$0x10100] =	vst v63  }
0x158: {  	v3 =	vld [tilespmem:$0xE0];
	_ =	sdelay $0x4  }
0x159: {  	v62 =	vshll.u32 v3, $0x1  }
0x15a: {  	v3 =	vand.u32 $0x7, v3;
	v4 =	vand.u32 $0xFFFFFFF0, v62  }
0x15b: {  	v3 =	vor.u32 v3, v4  }
0x15c: {  	v4 =	vperm.xlane v3, v0;
	_ =	sdelay $0x1  }
0x15d: {  	v3 =	vperm.xlane v3, v2;
	v4 =	vadd.s32 v1, v4;
	_ =	sdelay $0x1  }
0x15e: {  	v3 =	vadd.s32 v1, v3;
	_ =	sdelay $0x1  }
0x15f: {  	s13 =	simm.s32 $0xE100  }
0x160: {  	[tilespmem:s13], [sflag:$0x1] =	stream.indirect_vreg.gather [hbm4b:s1+s3], $0x80, v4, vm0, $0xb8;
	[tilespmem:$0x10100] =	vst v63  }
0x161: {  	s13 =	simm.s32 $0xE900  }
0x162: {  	[tilespmem:s13], [sflag:$0x1] =	stream.indirect_vreg.gather [hbm4b:s1+s3], $0x80, v3, vm0, $0xb8;
	[tilespmem:$0x10100] =	vst v63  }
0x163: {  	v3 =	vld [tilespmem:$0xF0];
	_ =	sdelay $0x4  }
0x164: {  	v63 =	vshll.u32 v3, $0x1  }
0x165: {  	v3 =	vand.u32 $0x7, v3;
	v4 =	vand.u32 $0xFFFFFFF0, v63  }
0x166: {  	v3 =	vor.u32 v3, v4  }
0x167: {  	v4 =	vperm.xlane v3, v0;
	_ =	sdelay $0x1  }
0x168: {  	v3 =	vperm.xlane v3, v2;
	v4 =	vadd.s32 v1, v4;
	_ =	sdelay $0x1  }
0x169: {  	v3 =	vadd.s32 v1, v3;
	_ =	sdelay $0x1  }
0x16a: {  	s13 =	simm.s32 $0xF100  }
0x16b: {  	[tilespmem:s13], [sflag:$0x1] =	stream.indirect_vreg.gather [hbm4b:s1+s3], $0x80, v4, vm0, $0xb8;
	[tilespmem:$0x10100] =	vst v63  }
0x16c: {  	s13 =	simm.s32 $0xF900  }
0x16d: {  	[tilespmem:s13], [sflag:$0x1] =	stream.indirect_vreg.gather [hbm4b:s1+s3], $0x80, v3, vm0, $0xb8;
	[tilespmem:$0x10100] =	vst v63  }
0x16e: {  	_ =	swait.ge [sflag:s12], $0x10000  }
0x16f: {  	p0 =	sne.s32 s4, $0x1;
	s0 =	simm.s32 $0x100;
	[sflag:s12] =	ssyncset.done $0x0  }
.Ltmp0:
0x170: {  	s13 =	rddreg [dreg:$0x7];
	[sflag:s12] =	ssyncadd.s32 $0xFFFF0000;
	(pc) =	sbr.rel @p0 .LBB2_1-.Ltmp0, $4  }
0x171: {  	[hbm4b:s13+s3] =	stream.linear.scatter [tilespmem:s0], [sflag:$0x2], $0x10000, $0x38;
	[tilespmem:$0x10100] =	vst v63  }
0x172: {  	_ =	swait.ge [sflag:s5], $0x10000  }
0x173: {  	[sflag:s5] =	ssyncset.done $0x0  }
0x174: {  	s4 =	sadd.s32 $0xFFFFFFFF, s4;
	[sflag:s5] =	ssyncadd.s32 $0xFFFF0000  }
0x175: {  	_ =	sfence.sel $0x180000  }
0x176: {  	[bflag:$0x0] =	sbarrier.arrive $0xFFFF  }
0x177: {  	_ =	strace $0x90000047  }
0x178: {  	s0 =	stileid.u32;
	[bflag:$0x2] =	sbarrier.arrive $0xFFFF  }
0x179: {  	p0 =	sne.s32 s0, $0x0;
	s0 =	rddreg [dreg:$0x3]  }
0x17a: {  	s0 =	sadd.s32 @!p0 $0x100000, s0  }
0x17b: {  	[sflag:s0] =	ssyncadd.tile.s32 @!p0 $0x1;
	_ =	shalt  }
.Lfunc_end2:
_tile_overlayer_lowered:
.L_overlay_start_2:
0x17c: {  	(tag) =	ssettag $0x2  }
0x17d: {  	s0 =	rddreg [dreg:$0x0];
	s2 =	stileid.u32  }
0x17e: {  	s1 =	rddreg [dreg:$0x1];
	p0 =	sne.s32 s2, $0x0  }
0x17f: {  	s3 =	rddreg [dreg:$0x2];
	[bflag:$0x3] =	sbarrier.arrive $0xFFFF;
	s2 =	simm.s32 @!p0 $0x1C02  }
0x180: {  	[timem:s3], [sflag:s2] =	dma.local @!p0 [hbm:s0], s1  }
0x181: {  	s0 =	simm.s32 @!p0 $0x2  }
0x182: {  	_ =	swait.ge @!p0 [sflag:s0], s1  }
0x183: {  	s1 =	ssub.s32 @!p0 $0x0, s1;
	[sflag:s0] =	ssyncset.done @!p0 $0x0  }
0x184: {  	[sflag:s0] =	ssyncadd.s32 @!p0 s1  }
0x185: {  	[bflag:$0x3] =	sbarrier.arrive $0xFFFF  }
0x186: {  	_ =	shalt  }

</sc_bundles>
